<compile_context>
chip_gen: v7x
topology: tpu7x:2x2x1
jax: 0.10.2.dev20260603
libtpu: 0.0.44.dev20260713+nightly
codegen_flags: <defaults>
</compile_context>

<pallas_src>
import dataclasses
import functools

import jax
import jax.numpy as jnp
from jax import lax
from jax.experimental import pallas as pl
from jax.experimental.pallas import tpu as pltpu
from jax.experimental.pallas import tpu_sc as plsc

S = 7
IMG = 448.0
CELL = 1.0 / 7.0
NCH = 30
N = 256 * S * S
NW = 32
CPW = N // NW
LANES = 16
NCHUNK = (CPW + LANES - 1) // LANES
CPAD = NCHUNK * LANES


def _sqrt(x):
    i = lax.bitcast_convert_type(x, jnp.int32)
    y = lax.bitcast_convert_type(0x5F3759DF - (i >> 1), jnp.float32)
    xh = x * 0.5
    for _ in range(3):
        y = y * (1.5 - xh * y * y)
    return x * y


def _cell_contrib(ldo, ldt, gx, gy, obj_b):

    def dec(x, y, w, h):
        bx = (x * CELL + gx) * IMG
        by = (y * CELL + gy) * IMG
        bw = w * IMG
        bh = h * IMG
        return bx - bw / 2.0, by - bh / 2.0, bx + bw / 2.0, by + bh / 2.0

    o = [ldo(c) for c in range(10)]
    t = [ldt(c) for c in range(10)]

    ox1, oy1, ox2, oy2 = dec(o[0], o[1], o[2], o[3])
    px1, py1, px2, py2 = dec(o[5], o[6], o[7], o[8])
    tx1, ty1, tx2, ty2 = dec(t[0], t[1], t[2], t[3])
    areat = (tx2 - tx1) * (ty2 - ty1)

    def iou(x1, y1, x2, y2):
        dx = jnp.minimum(x2, tx2) - jnp.maximum(x1, tx1)
        dy = jnp.minimum(y2, ty2) - jnp.maximum(y1, ty1)
        inter = jnp.maximum(dx, 0.0) * jnp.maximum(dy, 0.0)
        area = (x2 - x1) * (y2 - y1)
        return inter / (area + areat - inter)

    iou0 = iou(ox1, oy1, ox2, oy2)
    iou1 = iou(px1, py1, px2, py2)
    sel = iou1 > iou0
    max_iou = jnp.maximum(iou0, iou1)

    def pick(a, b):
        return jnp.where(sel, b, a)

    sox = pick(o[0], o[5])
    soy = pick(o[1], o[6])
    sow = pick(o[2], o[7])
    soh = pick(o[3], o[8])
    soc = pick(o[4], o[9])
    stx = pick(t[0], t[5])
    sty = pick(t[1], t[6])
    stw = pick(t[2], t[7])
    sth = pick(t[3], t[8])

    dx = sox - stx
    dy = soy - sty
    xy = dx * dx + dy * dy
    dw = _sqrt(sow) - _sqrt(stw)
    dh = _sqrt(soh) - _sqrt(sth)
    wh = dw * dw + dh * dh
    dc = soc - max_iou
    conf = dc * dc

    cls = None
    for c in range(10, 30):
        d = ldo(c) - ldt(c)
        cls = d * d if cls is None else cls + d * d

    d4 = o[4] - t[4]
    d9 = o[9] - t[9]
    noobj = d4 * d4 + d9 * d9

    obj_terms = 5.0 * (xy + wh) + conf + cls
    return jnp.where(obj_b, obj_terms, 0.5 * noobj)


@functools.cache
def _build_sc_kernel():
    mesh = plsc.VectorSubcoreMesh(core_axis_name="c", subcore_axis_name="s")
    cp = pltpu.CompilerParams()
    if "needs_layout_passes" in pltpu.CompilerParams.__dataclass_fields__:
        cp = dataclasses.replace(cp, needs_layout_passes=False)

    @functools.partial(
        pl.kernel,
        compiler_params=cp,
        out_type=jax.ShapeDtypeStruct((NW, LANES), jnp.float32),
        mesh=mesh,
        scratch_types=[
            pltpu.VMEM((CPAD * NCH,), jnp.float32),
            pltpu.VMEM((CPAD * NCH,), jnp.float32),
            pltpu.VMEM((CPAD,), jnp.int32),
            pltpu.VMEM((LANES,), jnp.float32),
        ],
    )
    def _yolo_sc(o_hbm, t_hbm, m_hbm, out_hbm, ov, tv, mv, acc):
        wid = lax.axis_index("s") * 2 + lax.axis_index("c")
        base = wid * CPW
        acc[...] = jnp.zeros((LANES,), jnp.float32)

        pltpu.sync_copy(acc, out_hbm.at[wid])

    return _yolo_sc


def kernel(output, target, grid_mask_obj):
    partials = _build_sc_kernel()(
        output.reshape(N * NCH),
        target.reshape(N * NCH),
        grid_mask_obj.reshape(N),
    )
    return jnp.sum(partials) / 256.0

# --- scband reference (transcript-rebuilt; emitter-appended) ---
"""Pipeline reference for scband-yolov1-loss-v1-59124519797020 (READ-ONLY COPY).

The authoritative reference and input builder live on the scoring server;
editing this copy changes nothing except your own understanding.
"""

import jax, jax.numpy as jnp
import numpy as np

GAMMA_COORD = 5.0
GAMMA_NOOBJ = 0.5
S = 7
B = 2
IMG_SIZE = 448
BS = 256
C = 20


def setup_inputs(seed: int = 0) -> dict:
    key = jax.random.key(seed)
    k1, k2, k3 = jax.random.split(key, 3)
    output = jax.random.uniform(k1, (BS, S, S, 5 * B + C), dtype=jnp.float32)
    target = jax.random.uniform(k2, (BS, S, S, 5 * B + C), dtype=jnp.float32)
    grid_mask_obj = jax.random.randint(k3, (BS, S, S), 0, 2, dtype=jnp.int32)
    return {"output": output, "target": target, "grid_mask_obj": grid_mask_obj}


def _decode(t):
    cell = 1.0 / float(S)
    ar = jnp.arange(S)
    yv, xv = jnp.meshgrid(ar, ar, indexing='ij')
    grids = jnp.stack((xv, yv), axis=2).astype(t.dtype) * cell  # [S,S,2], broadcasts over batch
    de = t
    for k in range(B):
        s = 5 * k
        xy = t[..., s:s + 2] * cell + grids
        de = de.at[..., s:s + 2].set(xy)
        de = de.at[..., s:s + 4].multiply(float(IMG_SIZE))
    return de


def _xywh2xyxy(b):
    return jnp.concatenate([b[..., :2] - b[..., 2:4] / 2.0, b[..., :2] + b[..., 2:4] / 2.0], axis=-1)


def _forward(output, target, grid_mask_obj):
    bs = output.shape[0]
    obj = (grid_mask_obj != 0).astype(output.dtype)  # [bs,S,S]
    de_out = _decode(output)
    de_tgt = _decode(target)
    out_boxes_dec = de_out[..., :5 * B].reshape(bs, S, S, B, 5)[..., :4]
    tgt_boxes_dec = de_tgt[..., :5 * B].reshape(bs, S, S, B, 5)[..., :4]
    out_xyxy = _xywh2xyxy(out_boxes_dec)
    tgt_xyxy = _xywh2xyxy(tgt_boxes_dec)
    tgt0 = tgt_xyxy[..., 0, :]  # box_iou(...)[:, 0] -> IoU vs target box 0
    lt = jnp.maximum(out_xyxy[..., :2], tgt0[..., None, :2])
    rb = jnp.minimum(out_xyxy[..., 2:], tgt0[..., None, 2:])
    inter = jnp.clip(rb - lt, 0.0).prod(-1)
    area1 = (out_xyxy[..., 2] - out_xyxy[..., 0]) * (out_xyxy[..., 3] - out_xyxy[..., 1])
    area2 = (tgt0[..., 2] - tgt0[..., 0]) * (tgt0[..., 3] - tgt0[..., 1])
    ious = inter / (area1 + area2[..., None] - inter)  # [bs,S,S,B]
    max_iou = ious.max(-1)
    max_id = ious.argmax(-1)
    onehot = jax.nn.one_hot(max_id, B, dtype=output.dtype)
    obj4 = obj[..., None]
    obj_ij_mask = onehot * obj4
    obj_ij_ious = onehot * max_iou[..., None] * obj4

    out_boxes = output[..., :5 * B].reshape(bs, S, S, B, 5)
    tgt_boxes = target[..., :5 * B].reshape(bs, S, S, B, 5)

    # regression loss (obj cells, responsible box from obj_ij_mask argmax)
    box_id_r = jnp.argmax(obj_ij_mask, axis=-1)
    sel_out = jnp.take_along_axis(out_boxes, box_id_r[..., None, None], axis=3)[..., 0, :]
    sel_tgt = jnp.take_along_axis(tgt_boxes, box_id_r[..., None, None], axis=3)[..., 0, :]
    xy_loss = ((sel_out[..., 0:2] - sel_tgt[..., 0:2]) ** 2).sum(-1)
    wh_loss = ((jnp.sqrt(sel_out[..., 2:4]) - jnp.sqrt(sel_tgt[..., 2:4])) ** 2).sum(-1)
    reg = GAMMA_COORD * ((xy_loss + wh_loss) * obj).sum() / bs

    # confidence loss (obj cells, responsible box from obj_ij_ious argmax)
    box_id_c = jnp.argmax(obj_ij_ious, axis=-1)
    out_c = jnp.take_along_axis(out_boxes[..., 4], box_id_c[..., None], axis=3)[..., 0]
    iou_c = jnp.take_along_axis(obj_ij_ious, box_id_c[..., None], axis=3)[..., 0]
    conf_obj = (((out_c - iou_c) ** 2) * obj).sum() / bs

    # confidence loss (noobj cells, all B boxes)
    noobj = 1.0 - obj
    c_diff = ((out_boxes[..., 4] - tgt_boxes[..., 4]) ** 2).sum(-1)
    conf_noobj = GAMMA_NOOBJ * (c_diff * noobj).sum() / bs

    # classification loss (obj cells)
    cls = ((((output[..., 5 * B:] - target[..., 5 * B:]) ** 2).sum(-1)) * obj).sum() / bs

    return reg + conf_obj + conf_noobj + cls


def reference(output, target, grid_mask_obj):
    return _forward(output, target, grid_mask_obj)

if __name__ == "__main__":
    import jax
    _d = setup_inputs()
    print(jax.jit(kernel)(*tuple(_d.values())))

</pallas_src>

<mosaic_0001>
#map = affine_map<(d0, d1) -> (0)>
#map1 = affine_map<(d0, d1) -> (0, 0)>
module attributes {stable_mosaic.version = 14 : i64} {
  func.func @_yolo_sc(%arg0: i32, %arg1: i32, %arg2: memref<376320xf32, #tpu.memory_space<hbm>>, %arg3: memref<376320xf32, #tpu.memory_space<hbm>>, %arg4: memref<12544xi32, #tpu.memory_space<hbm>>, %arg5: memref<32x16xf32, #tpu.memory_space<hbm>>, %arg6: memref<12000xf32, #tpu.memory_space<vmem>>, %arg7: memref<12000xf32, #tpu.memory_space<vmem>>, %arg8: memref<400xi32, #tpu.memory_space<vmem>>, %arg9: memref<16xf32, #tpu.memory_space<vmem>>) attributes {dimension_semantics = [#tpu.dimension_semantics<core_parallel>, #tpu.dimension_semantics<subcore_parallel>], iteration_bounds = array<i64: 2, 16>, scalar_prefetch = 0 : i64, scratch_operands = 4 : i64, tpu.core_type = #tpu.core_type<sc_vector_subcore>, window_params = [{transform_indices = #map}, {transform_indices = #map}, {transform_indices = #map}, {transform_indices = #map1}]} {
    %mul3A = arith.constant 2 : i32
    %mul3A_0 = arith.muli %arg1, %mul3A : i32
    %add3A = arith.addi %mul3A_0, %arg0 : i32
    %mul3A_1 = arith.constant 392 : i32
    %mul3A_2 = arith.muli %add3A, %mul3A_1 : i32
    %broadcast_in_dim3A = arith.constant 0.000000e+00 : f32
    %broadcast_in_dim3A_3 = vector.broadcast %broadcast_in_dim3A : f32 to vector<16xf32>
    %swap3A = arith.constant 0 : index
    %swap3A_4 = tpu.vector_load %arg9[%swap3A] {strides = array<i32>} : memref<16xf32, #tpu.memory_space<vmem>>, vector<16xf32>,
    tpu.vector_store %arg9[%swap3A], %broadcast_in_dim3A_3 {strides = array<i32>} : memref<16xf32, #tpu.memory_space<vmem>>, vector<16xf32>,
    "tpu.region"() ({
      %run_scoped3A = tpu.sem_alloc : memref<!tpu.dma_semaphore, #tpu.memory_space<semaphore_mem>>
      %dma_start3A = arith.constant 0 : i32
      %dma_start3A_5 = tpu.memref_slice %arg5[%add3A, %dma_start3A] : memref<32x16xf32, #tpu.memory_space<hbm>> -> memref<1x16xf32, #tpu.memory_space<hbm>>
      %dma_start3A_6 = tpu.memref_squeeze %dma_start3A_5 : memref<1x16xf32, #tpu.memory_space<hbm>> -> memref<16xf32, #tpu.memory_space<hbm>>
      %dma_start3A_7 = arith.constant 0 : i32
      %dma_start3A_8 = tpu.memref_slice %arg5[%add3A, %dma_start3A_7] : memref<32x16xf32, #tpu.memory_space<hbm>> -> memref<1x16xf32, #tpu.memory_space<hbm>>
      %dma_start3A_9 = tpu.memref_squeeze %dma_start3A_8 : memref<1x16xf32, #tpu.memory_space<hbm>> -> memref<16xf32, #tpu.memory_space<hbm>>
      tpu.enqueue_dma source(%arg9 : memref<16xf32, #tpu.memory_space<vmem>>) target(%dma_start3A_9 : memref<16xf32, #tpu.memory_space<hbm>>) target_semaphore(%run_scoped3A : memref<!tpu.dma_semaphore, #tpu.memory_space<semaphore_mem>>)
      %dma_wait3A = arith.constant 0 : i32
      %dma_wait3A_10 = tpu.memref_slice %arg5[%add3A, %dma_wait3A] : memref<32x16xf32, #tpu.memory_space<hbm>> -> memref<1x16xf32, #tpu.memory_space<hbm>>
      %dma_wait3A_11 = tpu.memref_squeeze %dma_wait3A_10 : memref<1x16xf32, #tpu.memory_space<hbm>> -> memref<16xf32, #tpu.memory_space<hbm>>
      %dma_wait3A_12 = arith.constant 0 : i32
      %dma_wait3A_13 = tpu.memref_slice %arg5[%add3A, %dma_wait3A_12] : memref<32x16xf32, #tpu.memory_space<hbm>> -> memref<1x16xf32, #tpu.memory_space<hbm>>
      %dma_wait3A_14 = tpu.memref_squeeze %dma_wait3A_13 : memref<1x16xf32, #tpu.memory_space<hbm>> -> memref<16xf32, #tpu.memory_space<hbm>>
      tpu.wait_dma2 semaphore(%run_scoped3A : memref<!tpu.dma_semaphore, #tpu.memory_space<semaphore_mem>>) src(%arg9 : memref<16xf32, #tpu.memory_space<vmem>>) dst(%dma_wait3A_14 : memref<16xf32, #tpu.memory_space<hbm>>)
      tpu.yield
    }) : () -> ()
    return
  }
}

</mosaic_0001>

<sc_bundles>
// kernel: kernel.3.cloned.1.call-start
scs
__scs_entry_jumppad:
0x0: {  	(pc) =	sbr.rel $0x88, $3  }
0x1: {  	(tag) =	ssettag $0x0;
	lr =	simm.s32 $0x1  }
0x2: {  	[smem:$0x3F9E] =	sst lr;
	_ =	strace $0xD0000000  }
0x3: {  	_ = 	snop  }
0x4: {  	_ = 	snop  }
0x5: {  	_ = 	snop  }
0x6: {  	_ = 	snop  }
0x7: {  	_ = 	snop  }
__scs_overlays_trampoline_lowered:
0x8: {  	[smem:$0x3FAD] =	sst s0  }
0x9: {  	[smem:$0x3FAE] =	sst s1  }
0xa: {  	[smem:$0x3FAF] =	sst s2  }
0xb: {  	[smem:$0x3FB0] =	sst s3  }
0xc: {  	[smem:$0x3FB1] =	sst s4  }
0xd: {  	[smem:$0x3FB2] =	sst s5  }
0xe: {  	[smem:$0x3FB3] =	sst s6  }
0xf: {  	[smem:$0x3FB4] =	sst s7  }
0x10: {  	[smem:$0x3FB5] =	sst s8  }
0x11: {  	[smem:$0x3FB6] =	sst s9;
	s0 =	simm.s32 @!p0 $0x0  }
0x12: {  	s1 =	sld [smem:$0x3F9C];
	s0 =	simm.s32 @p0 $0x1  }
0x13: {  	[smem:$0x3FB7] =	sst s0;
	s0 =	simm.s32 @!p1 $0x0  }
0x14: {  	s2 =	sld [smem:$0x3F9B];
	s0 =	simm.s32 @p1 $0x1  }
0x15: {  	[smem:$0x3FB8] =	sst s0;
	s0 =	simm.s32 @!p2 $0x0  }
0x16: {  	s3 =	sld [smem:$0x3FDB];
	s0 =	simm.s32 @p2 $0x1  }
0x17: {  	s4 =	simm.s32 $0x1BF5;
	[smem:$0x3FBA] =	sst s0  }
0x18: {  	s0 =	sld [smem:$0x3F9D];
	_ =	swait.ge [sflag:s4], $0x0  }
0x19: {  	s7 =	sld [smem:$0x3F9E]  }
0x1a: {  	s8 =	sadd.s32 $0xFFFFE003, lr  }
0x1b: {  	s9 =	sadd.s32 $0xFFFFFEF7, lr;
	s5 =	simm.s32 $0xFFFFFFFF;
	p2 =	slt.u32 s8, $0xFFFFF086  }
0x1c: {  	p1 =	slt.u32 s9, $0xF7A;
	s5 =	simm.s32 @!p2 $0x0  }
0x1d: {  	s5 =	simm.s32 @p1 $0x1;
	p0 =	seq.s32 s7, s2  }
0x1e: {  	s7 =	smul.u32 @!p0 $0xF7A, s2;
	p2 =	seq.s32 @!p0 s5, $0x0  }
0x1f: {  	s9 =	smul.u32 $0xF7A, s1;
	s8 =	simm.s32 @!p0 $0x1BF5;
	p2 =	por !p2, p0  }
0x20: {  	[sflag:s8] =	ssyncset.s32 @!p0 $0xFFFFF086;
	s6 =	sadd.s32 @!p0 s3, s7;
	s7 =	simm.s32 @!p0 $0x108  }
0x21: {  	s3 =	sadd.s32 s3, s9;
	s6 =	sadd.s32 @!p0 $0x88, s6;
	s7 =	simm.s32 @p2 $0x1082  }
0x22: {  	[simem:s7], [sflag:s8] =	dma.local @!p0 [hbm:s6], $0xF7A  }
0x23: {  	s9 =	sor.u32 $0xD0000000, s2;
	s6 =	simm.s32 $0x108;
	_ =	swait.ge @!p0 [sflag:s8], $0x0  }
0x24: {  	s3 =	sadd.s32 $0x88, s3;
	s6 =	simm.s32 @!p1 $0x1082;
	[sflag:s4] =	ssyncset.s32 $0xFFFFF086  }
0x25: {  	[simem:s6], [sflag:s4] =	dma.local [hbm:s3], $0xF7A  }
0x26: {  	[smem:$0x3F9E] =	sst s1;
	(tag) =	ssettag s2;
	_ =	strace s9  }
0x27: {  	s1 =	sld [smem:$0x3FAE]  }
0x28: {  	s2 =	sld [smem:$0x3FAF]  }
0x29: {  	s4 =	sld [smem:$0x3FB1]  }
0x2a: {  	p0 =	seq.s32 s5, $0x0;
	s5 =	sld [smem:$0x3FB2]  }
0x2b: {  	s6 =	sld [smem:$0x3FB3]  }
0x2c: {  	s7 =	sld [smem:$0x3FB4]  }
0x2d: {  	s3 =	simm.s32 $0x108;
	s8 =	sld [smem:$0x3FB5]  }
0x2e: {  	s3 =	simm.s32 @!p0 $0x1082;
	s9 =	sld [smem:$0x3FB6]  }
0x2f: {  	lr =	sadd.s32 s0, s3;
	s0 =	sld [smem:$0x3FAD]  }
0x30: {  	s3 =	sld [smem:$0x3FB0]  }
0x31: {  	[smem:$0x3FB9] =	sst s10  }
0x32: {  	s10 =	sld [smem:$0x3FB7];
	_ =	sdelay $0x3  }
0x33: {  	p0 =	seq.s32 s10, $0x1;
	s10 =	sld [smem:$0x3FB9];
	_ =	sdelay $0x3  }
0x34: {  	[smem:$0x3FB9] =	sst s10  }
0x35: {  	s10 =	sld [smem:$0x3FB8];
	_ =	sdelay $0x3  }
0x36: {  	p1 =	seq.s32 s10, $0x1;
	s10 =	sld [smem:$0x3FB9];
	_ =	sdelay $0x3  }
0x37: {  	[smem:$0x3FB9] =	sst s10  }
0x38: {  	s10 =	sld [smem:$0x3FBA]  }
0x39: {  	_ = 	snop;
	(pc) =	sbr.ind lr, $3  }
0x3a: {  	_ = 	snop  }
0x3b: {  	_ = 	snop  }
0x3c: {  	p2 =	seq.s32 s10, $0x1;
	s10 =	sld [smem:$0x3FB9]  }
0x3d: {  	_ =	shalt  }
0x3e: {  	_ =	shalt  }
0x3f: {  	_ =	shalt  }
0x40: {  	_ =	shalt  }
0x41: {  	_ =	shalt  }
0x42: {  	_ =	shalt  }
0x43: {  	_ =	shalt  }
0x44: {  	_ =	shalt  }
0x45: {  	_ =	shalt  }
0x46: {  	_ =	shalt  }
0x47: {  	_ =	shalt  }
0x48: {  	_ =	shalt  }
0x49: {  	_ =	shalt  }
0x4a: {  	_ =	shalt  }
0x4b: {  	_ =	shalt  }
0x4c: {  	_ =	shalt  }
0x4d: {  	_ =	shalt  }
0x4e: {  	_ =	shalt  }
0x4f: {  	_ =	shalt  }
0x50: {  	_ =	shalt  }
0x51: {  	_ =	shalt  }
0x52: {  	_ =	shalt  }
0x53: {  	_ =	shalt  }
0x54: {  	_ =	shalt  }
0x55: {  	_ =	shalt  }
0x56: {  	_ =	shalt  }
0x57: {  	_ =	shalt  }
0x58: {  	_ =	shalt  }
0x59: {  	_ =	shalt  }
0x5a: {  	_ =	shalt  }
0x5b: {  	_ =	shalt  }
0x5c: {  	_ =	shalt  }
0x5d: {  	_ =	shalt  }
0x5e: {  	_ =	shalt  }
0x5f: {  	_ =	shalt  }
0x60: {  	_ =	shalt  }
0x61: {  	_ =	shalt  }
0x62: {  	_ =	shalt  }
0x63: {  	_ =	shalt  }
0x64: {  	_ =	shalt  }
0x65: {  	_ =	shalt  }
0x66: {  	_ =	shalt  }
0x67: {  	_ =	shalt  }
0x68: {  	_ =	shalt  }
0x69: {  	_ =	shalt  }
0x6a: {  	_ =	shalt  }
0x6b: {  	_ =	shalt  }
0x6c: {  	_ =	shalt  }
0x6d: {  	_ =	shalt  }
0x6e: {  	_ =	shalt  }
0x6f: {  	_ =	shalt  }
0x70: {  	_ =	shalt  }
0x71: {  	_ =	shalt  }
0x72: {  	_ =	shalt  }
0x73: {  	_ =	shalt  }
0x74: {  	_ =	shalt  }
0x75: {  	_ =	shalt  }
0x76: {  	_ =	shalt  }
0x77: {  	_ =	shalt  }
0x78: {  	_ =	shalt  }
0x79: {  	_ =	shalt  }
0x7a: {  	_ =	shalt  }
0x7b: {  	_ =	shalt  }
0x7c: {  	_ =	shalt  }
0x7d: {  	_ =	shalt  }
0x7e: {  	_ =	shalt  }
0x7f: {  	_ =	shalt  }
0x80: {  	_ =	shalt  }
0x81: {  	_ =	shalt  }
0x82: {  	_ =	shalt  }
0x83: {  	_ =	shalt  }
0x84: {  	_ =	shalt  }
0x85: {  	_ =	shalt  }
0x86: {  	_ =	shalt  }
0x87: {  	_ =	shalt  }
.Lfunc_end0:
.L_simem_size_0:
called_computation_lowered:
.L_overlay_start_0:
0x88: {  	s2 =	sld [smem:$0x3FD9]  }
0x89: {  	s3 =	sld [smem:$0x3FFE];
	_ =	sdelay $0x1  }
0x8a: {  	s1 =	srdreg.scid  }
0x8b: {  	s0 =	sand.u32 $0x1, s1  }
0x8c: {  	s16 =	sshll.u32 s0, $0xA;
	s2 =	sadd.s32 s3, s2  }
0x8d: {  	s2 =	sadd.s32 s2, s16  }
0x8e: {  	[smem:$0x3FC5] =	sst s2  }
0x8f: {  	_ = 	snop  }
0x90: {  	(tm) =	ssettm $0x1  }
0x91: {  	s17 =	sld [smem:$0x3FFB];
	_ =	sdelay $0x3  }
0x92: {  	_ =	strace s17  }
0x93: {  	s2 =	sld [smem:$0x3FFC];
	_ =	sdelay $0x3  }
0x94: {  	_ =	strace s2  }
0x95: {  	s2 =	sld [smem:$0x3FFD];
	_ =	sdelay $0x3  }
0x96: {  	_ =	strace s2  }
0x97: {  	_ =	strace $0x8FFFFFFF  }
0x98: {  	s18 =	sld [smem:$0x3FDB];
	_ =	sdelay $0x1  }
0x99: {  	s19 =	simm.s32 $_scs_section_size  }
0x9a: {  	s4 =	simm.s32 $_size__tile_overlayer_lowered;
	s5 =	simm.s32 $_tile_overlayer_lowered  }
0x9b: {  	s22 =	simm.s32 $0x1BFF;
	s21 =	sshll.u32 s5, $0x1;
	s2 =	sadd.s32 s19, s18  }
0x9c: {  	s6 =	simm.s32 $0x0;
	s20 =	sshll.u32 s4, $0x1;
	s4 =	sadd.s32 s21, s2  }
0x9d: {  	[timem:s6], [sflag:s22] =	dma.local [hbm:s4], s20  }
0x9e: {  	_ =	swait.ge [sflag:s22], s20  }
0x9f: {  	s3 =	ssub.s32 $0x0, s20;
	[sflag:s22] =	ssyncset.done $0x0  }
0xa0: {  	[sflag:s22] =	ssyncadd.s32 s3;
	_ =	sdelay $0x1  }
0xa1: {  	s23 =	simm.s32 $0x1B8B  }
0xa2: {  	_ =	swait.ge [sflag:s23], $0x1  }
0xa3: {  	[sflag:s23] =	ssyncset.done $0x0  }
0xa4: {  	s25 =	simm.s32 $0x1B8E;
	s24 =	sld [smem:$0x3FFE];
	[sflag:s23] =	ssyncadd.s32 $0xFFFFFFFF  }
0xa5: {  	s26 =	simm.s32 $execute0_lowered;
	[smem:$0x3FD2] =	sst s25  }
0xa6: {  	s4 =	sshll.u32 s26, $0x1;
	_ =	strace $0x80000046;
	[dreg:$0x1] =	wrdreg $0xFFFFFFFF  }
0xa7: {  	s28 =	simm.s32 $_size_execute0_lowered;
	s2 =	sadd.s32 s2, s4;
	[dreg:$0x0] =	wrdreg $0x0  }
0xa8: {  	s4 =	sshll.u32 s28, $0x1;
	[dreg:$0x2] =	wrdreg s2  }
0xa9: {  	[dreg:$0x3] =	wrdreg s4  }
0xaa: {  	[dreg:$0x4] =	wrdreg $0xC0  }
0xab: {  	_ =	task [dreg:s6], $0x5FFFF  }
0xac: {  	[dreg:$0x1] =	wrdreg $0xFFFFFFFF  }
0xad: {  	[dreg:$0x0] =	wrdreg $0x60  }
0xae: {  	[dreg:$0x2] =	wrdreg s24  }
0xaf: {  	[dreg:$0x3] =	wrdreg $0x9  }
0xb0: {  	_ =	task.clear_ibuf [dreg:s6], $0x4FFFF;
	_ =	strace $0x90000046  }
0xb1: {  	s29 =	simm.s32 $0x9;
	_ =	strace $0x80000048  }
0xb2: {  	_ =	swait.ge [sflag:s29], $0x1  }
0xb3: {  	[sflag:s29] =	ssyncadd.s32 $0xFFFFFFFF  }
0xb4: {  	_ =	strace $0x90000048  }
0xb5: {  	_ =	sfence  }
0xb6: {  	s30 =	sld [smem:$0x0];
	_ =	sdelay $0x2  }
0xb7: {  	s31 =	sshll.u32 s1, $0xD;
	s1 =	sshrl.u32 s1, $0x2  }
0xb8: {  	s3 =	sand.u32 $0x4000, s31;
	s1 =	sadd.s32 s1, s30  }
0xb9: {  	s0 =	sor.u32 s3, s0;
	s1 =	sshll.u32 s1, $0x11  }
0xba: {  	s0 =	sor.u32 s1, s0  }
0xbb: {  	s0 =	sadd.s32 $0x8F2B, s0  }
0xbc: {  	[sflag:s0] =	ssyncadd.remote.s32 $0x1  }
0xbd: {  	_ =	sfence.sel $0xFFFF  }
0xbe: {  	[dreg:$0x0] =	wrdreg $0xFFFFFFFF;
	(pc) =	sbr.abs _section_cstart, $3  }
0xbf: {  	[dreg:$0x1] =	wrdreg $0xFFFFFFFF  }
0xc0: {  	_ =	task.clear_ibuf [dreg:s6], $0x2FFFF;
	_ =	strace $0x9FFFFFFF  }
0xc1: {  	(tm) =	ssettm $0x7FFFFFFF  }
tec
execute0_lowered:
.L_overlay_start_1:
0x0: {  	(tag) =	ssettag $0x1  }
0x1: {  	s1 =	srdreg.scid  }
0x2: {  	s4 =	sand.u32 $0x1, s1  }
0x3: {  	s5 =	sshll.u32 s4, $0x4;
	s4 =	ssub.s32 $0x2, s4  }
0x4: {  	s3 =	rddreg [dreg:$0x0];
	s31 =	sshrl.u32 s4, $0x1  }
0x5: {  	s0 =	rddreg [dreg:$0x1];
	s4 =	ssub.s32 s4, s31  }
0x6: {  	s1 =	stileid.u32;
	s3 =	sadd.s32 s5, s3;
	s5 =	smax.u32 s4, $0x1  }
0x7: {  	s2 =	simm.s32 $0x0;
	s6 =	sshll.u32 s1, $0x5;
	p0 =	sne.s32 s5, $0x1  }
.Ltmp0:
0x8: {  	v0 =	vimm.f32 $0.0e+00;
	[smem:$0x7FF] =	sst s2;
	s3 =	sadd.s32 s6, s3;
	(pc) =	sbr.rel @!p0 .LBB2_2-.Ltmp0, $4  }
0x9: {  	_ =	strace $0x80000047;
	[tilespmem:$0x0] =	vst v0;
	s3 =	sadd.s32 $0x17C00, s3;
	s4 =	simm.s32 $0x1  }
0xa: {  	[hbm4b:s3+s2] =	stream.linear.scatter [tilespmem:s2], [sflag:$0x1], $0x80, $0x38;
	[tilespmem:$0x80] =	vst v63  }
0xb: {  	_ =	swait.ge [sflag:s4], $0x80  }
0xc: {  	s5 =	sadd.s32 $0xFFFFFFFF, s5;
	[sflag:s4] =	ssyncset.done $0x0  }
.LBB2_1:
0xd: {  	p0 =	sne.s32 s5, $0x1;
	s5 =	sadd.s32 $0xFFFFFFFF, s5;
	[sflag:s4] =	ssyncadd.s32 $0xFFFFFF80  }
.Ltmp1:
0xe: {  	(pc) =	sbr.rel @p0 .LBB2_1-.Ltmp1, $4  }
0xf: {  	[tilespmem:$0x0] =	vst v0  }
0x10: {  	[hbm4b:s3+s2] =	stream.linear.scatter [tilespmem:s2], [sflag:$0x1], $0x80, $0x38;
	[tilespmem:$0x80] =	vst v63  }
0x11: {  	_ =	swait.ge [sflag:s4], $0x80  }
0x12: {  	[sflag:s4] =	ssyncset.done $0x0  }
.LBB2_2:
0x13: {  	[sflag:s4] =	ssyncadd.s32 $0xFFFFFF80  }
0x14: {  	_ =	sfence.sel $0x180000  }
0x15: {  	[bflag:$0x0] =	sbarrier.arrive $0xFFFF  }
0x16: {  	p0 =	sne.s32 s1, $0x0;
	_ =	strace $0x90000047  }
0x17: {  	s0 =	sadd.s32 @!p0 $0x100000, s0;
	[bflag:$0x2] =	sbarrier.arrive $0xFFFF  }
0x18: {  	[sflag:s0] =	ssyncadd.tile.s32 @!p0 $0x1;
	_ =	shalt  }
.Lfunc_end2:
_tile_overlayer_lowered:
.L_overlay_start_2:
0x19: {  	(tag) =	ssettag $0x2  }
0x1a: {  	s0 =	rddreg [dreg:$0x0];
	s2 =	stileid.u32  }
0x1b: {  	s1 =	rddreg [dreg:$0x1];
	p0 =	sne.s32 s2, $0x0  }
0x1c: {  	s3 =	rddreg [dreg:$0x2];
	[bflag:$0x3] =	sbarrier.arrive $0xFFFF;
	s2 =	simm.s32 @!p0 $0x1C01  }
0x1d: {  	[timem:s3], [sflag:s2] =	dma.local @!p0 [hbm:s0], s1  }
0x1e: {  	s0 =	simm.s32 @!p0 $0x1  }
0x1f: {  	_ =	swait.ge @!p0 [sflag:s0], s1  }
0x20: {  	s1 =	ssub.s32 @!p0 $0x0, s1;
	[sflag:s0] =	ssyncset.done @!p0 $0x0  }
0x21: {  	[sflag:s0] =	ssyncadd.s32 @!p0 s1  }
0x22: {  	[bflag:$0x3] =	sbarrier.arrive $0xFFFF  }
0x23: {  	_ =	shalt  }

</sc_bundles>
